<compile_context>
chip_gen: v7x
topology: tpu7x:2x2x1
jax: 0.10.2.dev20260603
libtpu: 0.0.44.dev20260713+nightly
codegen_flags: <defaults>
</compile_context>

<pallas_src>
import dataclasses
import functools

import jax
import jax.numpy as jnp
from jax import lax
from jax.experimental import pallas as pl
from jax.experimental.pallas import tpu as pltpu
from jax.experimental.pallas import tpu_sc as plsc

_NC = 2
_NS = 16
_NW = _NC * _NS
_L = 16

_BATCH = 16384
_D = 16
_B_PER_W = _BATCH // _NW


def _compiler_params():
    cp = pltpu.CompilerParams()
    fields = pltpu.CompilerParams.__dataclass_fields__
    if "needs_layout_passes" in fields:
        cp = dataclasses.replace(cp, needs_layout_passes=False)
    if "use_tc_tiling_on_sc" in fields:
        cp = dataclasses.replace(cp, use_tc_tiling_on_sc=False)
    return cp


def kernel(user_ids, item_ids, user_table, item_table):
    mesh = plsc.VectorSubcoreMesh(core_axis_name="c", subcore_axis_name="s")

    @functools.partial(
        pl.kernel,
        mesh=mesh,
        out_type=jax.ShapeDtypeStruct((_BATCH,), jnp.float32),
        scratch_types=[
            pltpu.VMEM((_B_PER_W,), jnp.int32),
            pltpu.VMEM((_B_PER_W,), jnp.int32),
            pltpu.VMEM((_B_PER_W, _D), jnp.float32),
            pltpu.VMEM((_B_PER_W, _D), jnp.float32),
            pltpu.VMEM((_B_PER_W,), jnp.float32),
            pltpu.SemaphoreType.DMA,
            pltpu.SemaphoreType.DMA,
        ],
        compiler_params=_compiler_params(),
    )
    def sc_kernel(uid_hbm, iid_hbm, ut_hbm, it_hbm, out_hbm,
                  uidx_v, iidx_v, u_rows, i_rows, out_v, sem_u, sem_i):
        wid = lax.axis_index("s") * _NC + lax.axis_index("c")
        base = wid * _B_PER_W
        pltpu.sync_copy(uid_hbm.at[pl.ds(base, _B_PER_W)], uidx_v)
        pltpu.sync_copy(iid_hbm.at[pl.ds(base, _B_PER_W)], iidx_v)
        cu = pltpu.async_copy(ut_hbm.at[uidx_v], u_rows, sem_u)
        ci = pltpu.async_copy(it_hbm.at[iidx_v], i_rows, sem_i)
        cu.wait()
        ci.wait()

        lane = lax.iota(jnp.int32, _L)

        @pl.loop(0, _B_PER_W, step=_L)
        def _(g):
            rows = g + lane
            acc = jnp.zeros((_L,), jnp.float32)
            for d in range(_D):
                col = jnp.full((_L,), d, jnp.int32)
                ug = plsc.load_gather(u_rows, [rows, col])
                vg = plsc.load_gather(i_rows, [rows, col])
                acc = acc + ug * vg
            out_v[pl.ds(g, _L)] = acc

        pltpu.sync_copy(out_v, out_hbm.at[pl.ds(base, _B_PER_W)])

    return sc_kernel(user_ids, item_ids, user_table, item_table)

# --- scband reference (transcript-rebuilt; emitter-appended) ---
"""Pipeline reference for scband-latent-factor-model-32023276159513 (READ-ONLY COPY).

The authoritative reference and input builder live on the scoring server;
editing this copy changes nothing except your own understanding.
"""

import jax, jax.numpy as jnp
import numpy as np

N_USERS = 1000000
N_ITEMS = 1000000
LATENT_DIM = 16
BATCH = 16384

def setup_inputs(seed: int = 0) -> dict:
    key = jax.random.key(seed)
    k1, k2, k3, k4 = jax.random.split(key, 4)
    user_ids = jax.random.randint(k1, (BATCH,), 0, N_USERS, dtype=jnp.int64 if jax.config.jax_enable_x64 else jnp.int32)
    item_ids = jax.random.randint(k2, (BATCH,), 0, N_ITEMS, dtype=jnp.int64 if jax.config.jax_enable_x64 else jnp.int32)
    user_table = jax.random.normal(k3, (N_USERS, LATENT_DIM), dtype=jnp.float32)
    item_table = jax.random.normal(k4, (N_ITEMS, LATENT_DIM), dtype=jnp.float32)
    return {"user_ids": user_ids, "item_ids": item_ids, "user_table": user_table, "item_table": item_table}

def reference(user_ids, item_ids, user_table, item_table):
    # nn.Embedding lookup -> row gather from the table
    user_embed = jnp.take(user_table, user_ids, axis=0)
    item_embed = jnp.take(item_table, item_ids, axis=0)
    # elementwise product then sum over latent dim (dot product per pair)
    return (user_embed * item_embed).sum(axis=1)

if __name__ == "__main__":
    import jax
    _d = setup_inputs()
    print(jax.jit(kernel)(*tuple(_d.values())))

</pallas_src>

<mosaic_0001>
#map = affine_map<(d0, d1) -> (0)>
#map1 = affine_map<(d0, d1) -> (0, 0)>
module attributes {stable_mosaic.version = 14 : i64} {
  func.func @sc_kernel(%arg0: i32, %arg1: i32, %arg2: memref<16384xi32, #tpu.memory_space<hbm>>, %arg3: memref<16384xi32, #tpu.memory_space<hbm>>, %arg4: memref<1000000x16xf32, #tpu.memory_space<hbm>>, %arg5: memref<1000000x16xf32, #tpu.memory_space<hbm>>, %arg6: memref<16384xf32, #tpu.memory_space<hbm>>, %arg7: memref<512xi32, #tpu.memory_space<vmem>>, %arg8: memref<512xi32, #tpu.memory_space<vmem>>, %arg9: memref<512x16xf32, #tpu.memory_space<vmem>>, %arg10: memref<512x16xf32, #tpu.memory_space<vmem>>, %arg11: memref<512xf32, #tpu.memory_space<vmem>>, %arg12: memref<!tpu.dma_semaphore, #tpu.memory_space<semaphore_mem>>, %arg13: memref<!tpu.dma_semaphore, #tpu.memory_space<semaphore_mem>>) attributes {dimension_semantics = [#tpu.dimension_semantics<core_parallel>, #tpu.dimension_semantics<subcore_parallel>], iteration_bounds = array<i64: 2, 16>, scalar_prefetch = 0 : i64, scratch_operands = 7 : i64, tpu.core_type = #tpu.core_type<sc_vector_subcore>, window_params = [{transform_indices = #map}, {transform_indices = #map}, {transform_indices = #map1}, {transform_indices = #map1}, {transform_indices = #map}]} {
    %mul3A = arith.constant 2 : i32
    %mul3A_0 = arith.muli %arg1, %mul3A : i32
    %add3A = arith.addi %mul3A_0, %arg0 : i32
    %mul3A_1 = arith.constant 512 : i32
    %mul3A_2 = arith.muli %add3A, %mul3A_1 : i32
    "tpu.region"() ({
      %run_scoped3A = tpu.sem_alloc : memref<!tpu.dma_semaphore, #tpu.memory_space<semaphore_mem>>
      %dma_start3A_17 = tpu.memref_slice %arg2[%mul3A_2] : memref<16384xi32, #tpu.memory_space<hbm>> -> memref<512xi32, #tpu.memory_space<hbm>>
      %dma_start3A_18 = tpu.memref_slice %arg2[%mul3A_2] : memref<16384xi32, #tpu.memory_space<hbm>> -> memref<512xi32, #tpu.memory_space<hbm>>
      tpu.enqueue_dma source(%dma_start3A_18 : memref<512xi32, #tpu.memory_space<hbm>>) target(%arg7 : memref<512xi32, #tpu.memory_space<vmem>>) target_semaphore(%run_scoped3A : memref<!tpu.dma_semaphore, #tpu.memory_space<semaphore_mem>>)
      %dma_wait3A_19 = tpu.memref_slice %arg2[%mul3A_2] : memref<16384xi32, #tpu.memory_space<hbm>> -> memref<512xi32, #tpu.memory_space<hbm>>
      %dma_wait3A_20 = tpu.memref_slice %arg2[%mul3A_2] : memref<16384xi32, #tpu.memory_space<hbm>> -> memref<512xi32, #tpu.memory_space<hbm>>
      tpu.wait_dma2 semaphore(%run_scoped3A : memref<!tpu.dma_semaphore, #tpu.memory_space<semaphore_mem>>) src(%dma_wait3A_20 : memref<512xi32, #tpu.memory_space<hbm>>) dst(%arg7 : memref<512xi32, #tpu.memory_space<vmem>>)
      tpu.yield
    }) : () -> ()
    "tpu.region"() ({
      %run_scoped3A = tpu.sem_alloc : memref<!tpu.dma_semaphore, #tpu.memory_space<semaphore_mem>>
      %dma_start3A_17 = tpu.memref_slice %arg3[%mul3A_2] : memref<16384xi32, #tpu.memory_space<hbm>> -> memref<512xi32, #tpu.memory_space<hbm>>
      %dma_start3A_18 = tpu.memref_slice %arg3[%mul3A_2] : memref<16384xi32, #tpu.memory_space<hbm>> -> memref<512xi32, #tpu.memory_space<hbm>>
      tpu.enqueue_dma source(%dma_start3A_18 : memref<512xi32, #tpu.memory_space<hbm>>) target(%arg8 : memref<512xi32, #tpu.memory_space<vmem>>) target_semaphore(%run_scoped3A : memref<!tpu.dma_semaphore, #tpu.memory_space<semaphore_mem>>)
      %dma_wait3A_19 = tpu.memref_slice %arg3[%mul3A_2] : memref<16384xi32, #tpu.memory_space<hbm>> -> memref<512xi32, #tpu.memory_space<hbm>>
      %dma_wait3A_20 = tpu.memref_slice %arg3[%mul3A_2] : memref<16384xi32, #tpu.memory_space<hbm>> -> memref<512xi32, #tpu.memory_space<hbm>>
      tpu.wait_dma2 semaphore(%run_scoped3A : memref<!tpu.dma_semaphore, #tpu.memory_space<semaphore_mem>>) src(%dma_wait3A_20 : memref<512xi32, #tpu.memory_space<hbm>>) dst(%arg8 : memref<512xi32, #tpu.memory_space<vmem>>)
      tpu.yield
    }) : () -> ()
    %dma_start3A = arith.constant 0 : i32
    %dma_start3A_3 = arith.constant 0 : i32
    %dma_start3A_4 = tpu.memref_slice %arg4[%dma_start3A, %dma_start3A_3] : memref<1000000x16xf32, #tpu.memory_space<hbm>> -> memref<1000000x16xf32, #tpu.memory_space<hbm>>
    tpu.enqueue_indirect_dma source(%dma_start3A_4 : memref<1000000x16xf32, #tpu.memory_space<hbm>>) target(%arg9 : memref<512x16xf32, #tpu.memory_space<vmem>>) offsets(%arg7 : memref<512xi32, #tpu.memory_space<vmem>>) semaphore(%arg12 : memref<!tpu.dma_semaphore, #tpu.memory_space<semaphore_mem>>)
    %dma_start3A_5 = arith.constant 0 : i32
    %dma_start3A_6 = arith.constant 0 : i32
    %dma_start3A_7 = tpu.memref_slice %arg5[%dma_start3A_5, %dma_start3A_6] : memref<1000000x16xf32, #tpu.memory_space<hbm>> -> memref<1000000x16xf32, #tpu.memory_space<hbm>>
    tpu.enqueue_indirect_dma source(%dma_start3A_7 : memref<1000000x16xf32, #tpu.memory_space<hbm>>) target(%arg10 : memref<512x16xf32, #tpu.memory_space<vmem>>) offsets(%arg8 : memref<512xi32, #tpu.memory_space<vmem>>) semaphore(%arg13 : memref<!tpu.dma_semaphore, #tpu.memory_space<semaphore_mem>>)
    %dma_wait3A = arith.constant 0 : i32
    %dma_wait3A_8 = arith.constant 0 : i32
    %dma_wait3A_9 = tpu.memref_slice %arg4[%dma_wait3A, %dma_wait3A_8] : memref<1000000x16xf32, #tpu.memory_space<hbm>> -> memref<1000000x16xf32, #tpu.memory_space<hbm>>
    tpu.wait_indirect_dma semaphore(%arg12 : memref<!tpu.dma_semaphore, #tpu.memory_space<semaphore_mem>>) src(%dma_wait3A_9 : memref<1000000x16xf32, #tpu.memory_space<hbm>>) dst(%arg9 : memref<512x16xf32, #tpu.memory_space<vmem>>)
    %dma_wait3A_10 = arith.constant 0 : i32
    %dma_wait3A_11 = arith.constant 0 : i32
    %dma_wait3A_12 = tpu.memref_slice %arg5[%dma_wait3A_10, %dma_wait3A_11] : memref<1000000x16xf32, #tpu.memory_space<hbm>> -> memref<1000000x16xf32, #tpu.memory_space<hbm>>
    tpu.wait_indirect_dma semaphore(%arg13 : memref<!tpu.dma_semaphore, #tpu.memory_space<semaphore_mem>>) src(%dma_wait3A_12 : memref<1000000x16xf32, #tpu.memory_space<hbm>>) dst(%arg10 : memref<512x16xf32, #tpu.memory_space<vmem>>)
    %iota3A = tpu.iota {dimensions = array<i32: 0>} : vector<16xi32>
    %scan3A = arith.constant 0 : i32
    %scan3A_13 = arith.constant 32 : i32
    %scan3A_14 = arith.addi %scan3A, %scan3A_13 : i32
    %scan3A_15 = arith.constant 1 : i32
    scf.for %scan3A_17 = %scan3A to %scan3A_14 step %scan3A_15  : i32 {
      %mul3A_18 = arith.constant 16 : i32
      %mul3A_19 = arith.muli %scan3A_17, %mul3A_18 : i32
      %add3A_20 = arith.constant 0 : i32
      %add3A_21 = arith.addi %add3A_20, %mul3A_19 : i32
      %add3A_22 = vector.broadcast %add3A_21 : i32 to vector<16xi32>
      %add3A_23 = arith.addi %add3A_22, %iota3A : vector<16xi32>
      %broadcast_in_dim3A = arith.constant 0.000000e+00 : f32
      %broadcast_in_dim3A_24 = vector.broadcast %broadcast_in_dim3A : f32 to vector<16xf32>
      %broadcast_in_dim3A_25 = arith.constant 0 : i32
      %broadcast_in_dim3A_26 = vector.broadcast %broadcast_in_dim3A_25 : i32 to vector<16xi32>
      %gather3A = tpu.vector_load_idx %arg9[%add3A_23, %broadcast_in_dim3A_26] : memref<512x16xf32, #tpu.memory_space<vmem>>[vector<16xi32>, vector<16xi32>], vector<16xf32>,
      %gather3A_27 = tpu.vector_load_idx %arg10[%add3A_23, %broadcast_in_dim3A_26] : memref<512x16xf32, #tpu.memory_space<vmem>>[vector<16xi32>, vector<16xi32>], vector<16xf32>,
      %mul3A_28 = arith.mulf %gather3A, %gather3A_27 : vector<16xf32>
      %add3A_29 = arith.addf %broadcast_in_dim3A_24, %mul3A_28 : vector<16xf32>
      %broadcast_in_dim3A_30 = arith.constant 1 : i32
      %broadcast_in_dim3A_31 = vector.broadcast %broadcast_in_dim3A_30 : i32 to vector<16xi32>
      %gather3A_32 = tpu.vector_load_idx %arg9[%add3A_23, %broadcast_in_dim3A_31] : memref<512x16xf32, #tpu.memory_space<vmem>>[vector<16xi32>, vector<16xi32>], vector<16xf32>,
      %gather3A_33 = tpu.vector_load_idx %arg10[%add3A_23, %broadcast_in_dim3A_31] : memref<512x16xf32, #tpu.memory_space<vmem>>[vector<16xi32>, vector<16xi32>], vector<16xf32>,
      %mul3A_34 = arith.mulf %gather3A_32, %gather3A_33 : vector<16xf32>
      %add3A_35 = arith.addf %add3A_29, %mul3A_34 : vector<16xf32>
      %broadcast_in_dim3A_36 = arith.constant 2 : i32
      %broadcast_in_dim3A_37 = vector.broadcast %broadcast_in_dim3A_36 : i32 to vector<16xi32>
      %gather3A_38 = tpu.vector_load_idx %arg9[%add3A_23, %broadcast_in_dim3A_37] : memref<512x16xf32, #tpu.memory_space<vmem>>[vector<16xi32>, vector<16xi32>], vector<16xf32>,
      %gather3A_39 = tpu.vector_load_idx %arg10[%add3A_23, %broadcast_in_dim3A_37] : memref<512x16xf32, #tpu.memory_space<vmem>>[vector<16xi32>, vector<16xi32>], vector<16xf32>,
      %mul3A_40 = arith.mulf %gather3A_38, %gather3A_39 : vector<16xf32>
      %add3A_41 = arith.addf %add3A_35, %mul3A_40 : vector<16xf32>
      %broadcast_in_dim3A_42 = arith.constant 3 : i32
      %broadcast_in_dim3A_43 = vector.broadcast %broadcast_in_dim3A_42 : i32 to vector<16xi32>
      %gather3A_44 = tpu.vector_load_idx %arg9[%add3A_23, %broadcast_in_dim3A_43] : memref<512x16xf32, #tpu.memory_space<vmem>>[vector<16xi32>, vector<16xi32>], vector<16xf32>,
      %gather3A_45 = tpu.vector_load_idx %arg10[%add3A_23, %broadcast_in_dim3A_43] : memref<512x16xf32, #tpu.memory_space<vmem>>[vector<16xi32>, vector<16xi32>], vector<16xf32>,
      %mul3A_46 = arith.mulf %gather3A_44, %gather3A_45 : vector<16xf32>
      %add3A_47 = arith.addf %add3A_41, %mul3A_46 : vector<16xf32>
      %broadcast_in_dim3A_48 = arith.constant 4 : i32
      %broadcast_in_dim3A_49 = vector.broadcast %broadcast_in_dim3A_48 : i32 to vector<16xi32>
      %gather3A_50 = tpu.vector_load_idx %arg9[%add3A_23, %broadcast_in_dim3A_49] : memref<512x16xf32, #tpu.memory_space<vmem>>[vector<16xi32>, vector<16xi32>], vector<16xf32>,
      %gather3A_51 = tpu.vector_load_idx %arg10[%add3A_23, %broadcast_in_dim3A_49] : memref<512x16xf32, #tpu.memory_space<vmem>>[vector<16xi32>, vector<16xi32>], vector<16xf32>,
      %mul3A_52 = arith.mulf %gather3A_50, %gather3A_51 : vector<16xf32>
      %add3A_53 = arith.addf %add3A_47, %mul3A_52 : vector<16xf32>
      %broadcast_in_dim3A_54 = arith.constant 5 : i32
      %broadcast_in_dim3A_55 = vector.broadcast %broadcast_in_dim3A_54 : i32 to vector<16xi32>
      %gather3A_56 = tpu.vector_load_idx %arg9[%add3A_23, %broadcast_in_dim3A_55] : memref<512x16xf32, #tpu.memory_space<vmem>>[vector<16xi32>, vector<16xi32>], vector<16xf32>,
      %gather3A_57 = tpu.vector_load_idx %arg10[%add3A_23, %broadcast_in_dim3A_55] : memref<512x16xf32, #tpu.memory_space<vmem>>[vector<16xi32>, vector<16xi32>], vector<16xf32>,
      %mul3A_58 = arith.mulf %gather3A_56, %gather3A_57 : vector<16xf32>
      %add3A_59 = arith.addf %add3A_53, %mul3A_58 : vector<16xf32>
      %broadcast_in_dim3A_60 = arith.constant 6 : i32
      %broadcast_in_dim3A_61 = vector.broadcast %broadcast_in_dim3A_60 : i32 to vector<16xi32>
      %gather3A_62 = tpu.vector_load_idx %arg9[%add3A_23, %broadcast_in_dim3A_61] : memref<512x16xf32, #tpu.memory_space<vmem>>[vector<16xi32>, vector<16xi32>], vector<16xf32>,
      %gather3A_63 = tpu.vector_load_idx %arg10[%add3A_23, %broadcast_in_dim3A_61] : memref<512x16xf32, #tpu.memory_space<vmem>>[vector<16xi32>, vector<16xi32>], vector<16xf32>,
      %mul3A_64 = arith.mulf %gather3A_62, %gather3A_63 : vector<16xf32>
      %add3A_65 = arith.addf %add3A_59, %mul3A_64 : vector<16xf32>
      %broadcast_in_dim3A_66 = arith.constant 7 : i32
      %broadcast_in_dim3A_67 = vector.broadcast %broadcast_in_dim3A_66 : i32 to vector<16xi32>
      %gather3A_68 = tpu.vector_load_idx %arg9[%add3A_23, %broadcast_in_dim3A_67] : memref<512x16xf32, #tpu.memory_space<vmem>>[vector<16xi32>, vector<16xi32>], vector<16xf32>,
      %gather3A_69 = tpu.vector_load_idx %arg10[%add3A_23, %broadcast_in_dim3A_67] : memref<512x16xf32, #tpu.memory_space<vmem>>[vector<16xi32>, vector<16xi32>], vector<16xf32>,
      %mul3A_70 = arith.mulf %gather3A_68, %gather3A_69 : vector<16xf32>
      %add3A_71 = arith.addf %add3A_65, %mul3A_70 : vector<16xf32>
      %broadcast_in_dim3A_72 = arith.constant 8 : i32
      %broadcast_in_dim3A_73 = vector.broadcast %broadcast_in_dim3A_72 : i32 to vector<16xi32>
      %gather3A_74 = tpu.vector_load_idx %arg9[%add3A_23, %broadcast_in_dim3A_73] : memref<512x16xf32, #tpu.memory_space<vmem>>[vector<16xi32>, vector<16xi32>], vector<16xf32>,
      %gather3A_75 = tpu.vector_load_idx %arg10[%add3A_23, %broadcast_in_dim3A_73] : memref<512x16xf32, #tpu.memory_space<vmem>>[vector<16xi32>, vector<16xi32>], vector<16xf32>,
      %mul3A_76 = arith.mulf %gather3A_74, %gather3A_75 : vector<16xf32>
      %add3A_77 = arith.addf %add3A_71, %mul3A_76 : vector<16xf32>
      %broadcast_in_dim3A_78 = arith.constant 9 : i32
      %broadcast_in_dim3A_79 = vector.broadcast %broadcast_in_dim3A_78 : i32 to vector<16xi32>
      %gather3A_80 = tpu.vector_load_idx %arg9[%add3A_23, %broadcast_in_dim3A_79] : memref<512x16xf32, #tpu.memory_space<vmem>>[vector<16xi32>, vector<16xi32>], vector<16xf32>,
      %gather3A_81 = tpu.vector_load_idx %arg10[%add3A_23, %broadcast_in_dim3A_79] : memref<512x16xf32, #tpu.memory_space<vmem>>[vector<16xi32>, vector<16xi32>], vector<16xf32>,
      %mul3A_82 = arith.mulf %gather3A_80, %gather3A_81 : vector<16xf32>
      %add3A_83 = arith.addf %add3A_77, %mul3A_82 : vector<16xf32>
      %broadcast_in_dim3A_84 = arith.constant 10 : i32
      %broadcast_in_dim3A_85 = vector.broadcast %broadcast_in_dim3A_84 : i32 to vector<16xi32>
      %gather3A_86 = tpu.vector_load_idx %arg9[%add3A_23, %broadcast_in_dim3A_85] : memref<512x16xf32, #tpu.memory_space<vmem>>[vector<16xi32>, vector<16xi32>], vector<16xf32>,
      %gather3A_87 = tpu.vector_load_idx %arg10[%add3A_23, %broadcast_in_dim3A_85] : memref<512x16xf32, #tpu.memory_space<vmem>>[vector<16xi32>, vector<16xi32>], vector<16xf32>,
      %mul3A_88 = arith.mulf %gather3A_86, %gather3A_87 : vector<16xf32>
      %add3A_89 = arith.addf %add3A_83, %mul3A_88 : vector<16xf32>
      %broadcast_in_dim3A_90 = arith.constant 11 : i32
      %broadcast_in_dim3A_91 = vector.broadcast %broadcast_in_dim3A_90 : i32 to vector<16xi32>
      %gather3A_92 = tpu.vector_load_idx %arg9[%add3A_23, %broadcast_in_dim3A_91] : memref<512x16xf32, #tpu.memory_space<vmem>>[vector<16xi32>, vector<16xi32>], vector<16xf32>,
      %gather3A_93 = tpu.vector_load_idx %arg10[%add3A_23, %broadcast_in_dim3A_91] : memref<512x16xf32, #tpu.memory_space<vmem>>[vector<16xi32>, vector<16xi32>], vector<16xf32>,
      %mul3A_94 = arith.mulf %gather3A_92, %gather3A_93 : vector<16xf32>
      %add3A_95 = arith.addf %add3A_89, %mul3A_94 : vector<16xf32>
      %broadcast_in_dim3A_96 = arith.constant 12 : i32
      %broadcast_in_dim3A_97 = vector.broadcast %broadcast_in_dim3A_96 : i32 to vector<16xi32>
      %gather3A_98 = tpu.vector_load_idx %arg9[%add3A_23, %broadcast_in_dim3A_97] : memref<512x16xf32, #tpu.memory_space<vmem>>[vector<16xi32>, vector<16xi32>], vector<16xf32>,
      %gather3A_99 = tpu.vector_load_idx %arg10[%add3A_23, %broadcast_in_dim3A_97] : memref<512x16xf32, #tpu.memory_space<vmem>>[vector<16xi32>, vector<16xi32>], vector<16xf32>,
      %mul3A_100 = arith.mulf %gather3A_98, %gather3A_99 : vector<16xf32>
      %add3A_101 = arith.addf %add3A_95, %mul3A_100 : vector<16xf32>
      %broadcast_in_dim3A_102 = arith.constant 13 : i32
      %broadcast_in_dim3A_103 = vector.broadcast %broadcast_in_dim3A_102 : i32 to vector<16xi32>
      %gather3A_104 = tpu.vector_load_idx %arg9[%add3A_23, %broadcast_in_dim3A_103] : memref<512x16xf32, #tpu.memory_space<vmem>>[vector<16xi32>, vector<16xi32>], vector<16xf32>,
      %gather3A_105 = tpu.vector_load_idx %arg10[%add3A_23, %broadcast_in_dim3A_103] : memref<512x16xf32, #tpu.memory_space<vmem>>[vector<16xi32>, vector<16xi32>], vector<16xf32>,
      %mul3A_106 = arith.mulf %gather3A_104, %gather3A_105 : vector<16xf32>
      %add3A_107 = arith.addf %add3A_101, %mul3A_106 : vector<16xf32>
      %broadcast_in_dim3A_108 = arith.constant 14 : i32
      %broadcast_in_dim3A_109 = vector.broadcast %broadcast_in_dim3A_108 : i32 to vector<16xi32>
      %gather3A_110 = tpu.vector_load_idx %arg9[%add3A_23, %broadcast_in_dim3A_109] : memref<512x16xf32, #tpu.memory_space<vmem>>[vector<16xi32>, vector<16xi32>], vector<16xf32>,
      %gather3A_111 = tpu.vector_load_idx %arg10[%add3A_23, %broadcast_in_dim3A_109] : memref<512x16xf32, #tpu.memory_space<vmem>>[vector<16xi32>, vector<16xi32>], vector<16xf32>,
      %mul3A_112 = arith.mulf %gather3A_110, %gather3A_111 : vector<16xf32>
      %add3A_113 = arith.addf %add3A_107, %mul3A_112 : vector<16xf32>
      %broadcast_in_dim3A_114 = arith.constant 15 : i32
      %broadcast_in_dim3A_115 = vector.broadcast %broadcast_in_dim3A_114 : i32 to vector<16xi32>
      %gather3A_116 = tpu.vector_load_idx %arg9[%add3A_23, %broadcast_in_dim3A_115] : memref<512x16xf32, #tpu.memory_space<vmem>>[vector<16xi32>, vector<16xi32>], vector<16xf32>,
      %gather3A_117 = tpu.vector_load_idx %arg10[%add3A_23, %broadcast_in_dim3A_115] : memref<512x16xf32, #tpu.memory_space<vmem>>[vector<16xi32>, vector<16xi32>], vector<16xf32>,
      %mul3A_118 = arith.mulf %gather3A_116, %gather3A_117 : vector<16xf32>
      %add3A_119 = arith.addf %add3A_113, %mul3A_118 : vector<16xf32>
      %swap3A = arith.index_cast %add3A_21 : i32 to index
      %swap3A_120 = tpu.vector_load %arg11[%swap3A] {strides = array<i32>} : memref<512xf32, #tpu.memory_space<vmem>>, vector<16xf32>,
      tpu.vector_store %arg11[%swap3A], %add3A_119 {strides = array<i32>} : memref<512xf32, #tpu.memory_space<vmem>>, vector<16xf32>,
    }
    %scan3A_16 = arith.constant 32 : i32
    "tpu.region"() ({
      %run_scoped3A = tpu.sem_alloc : memref<!tpu.dma_semaphore, #tpu.memory_space<semaphore_mem>>
      %dma_start3A_17 = tpu.memref_slice %arg6[%mul3A_2] : memref<16384xf32, #tpu.memory_space<hbm>> -> memref<512xf32, #tpu.memory_space<hbm>>
      %dma_start3A_18 = tpu.memref_slice %arg6[%mul3A_2] : memref<16384xf32, #tpu.memory_space<hbm>> -> memref<512xf32, #tpu.memory_space<hbm>>
      tpu.enqueue_dma source(%arg11 : memref<512xf32, #tpu.memory_space<vmem>>) target(%dma_start3A_18 : memref<512xf32, #tpu.memory_space<hbm>>) target_semaphore(%run_scoped3A : memref<!tpu.dma_semaphore, #tpu.memory_space<semaphore_mem>>)
      %dma_wait3A_19 = tpu.memref_slice %arg6[%mul3A_2] : memref<16384xf32, #tpu.memory_space<hbm>> -> memref<512xf32, #tpu.memory_space<hbm>>
      %dma_wait3A_20 = tpu.memref_slice %arg6[%mul3A_2] : memref<16384xf32, #tpu.memory_space<hbm>> -> memref<512xf32, #tpu.memory_space<hbm>>
      tpu.wait_dma2 semaphore(%run_scoped3A : memref<!tpu.dma_semaphore, #tpu.memory_space<semaphore_mem>>) src(%arg11 : memref<512xf32, #tpu.memory_space<vmem>>) dst(%dma_wait3A_20 : memref<512xf32, #tpu.memory_space<hbm>>)
      tpu.yield
    }) : () -> ()
    return
  }
}

</mosaic_0001>

<sc_bundles>
// kernel: kernel.3.cloned.1.call-start
scs
__scs_entry_jumppad:
0x0: {  	(pc) =	sbr.rel $0x88, $3  }
0x1: {  	(tag) =	ssettag $0x0;
	lr =	simm.s32 $0x1  }
0x2: {  	[smem:$0x3F9D] =	sst lr;
	_ =	strace $0xD0000000  }
0x3: {  	_ = 	snop  }
0x4: {  	_ = 	snop  }
0x5: {  	_ = 	snop  }
0x6: {  	_ = 	snop  }
0x7: {  	_ = 	snop  }
__scs_overlays_trampoline_lowered:
0x8: {  	[smem:$0x3FAC] =	sst s0  }
0x9: {  	[smem:$0x3FAD] =	sst s1  }
0xa: {  	[smem:$0x3FAE] =	sst s2  }
0xb: {  	[smem:$0x3FAF] =	sst s3  }
0xc: {  	[smem:$0x3FB0] =	sst s4  }
0xd: {  	[smem:$0x3FB1] =	sst s5  }
0xe: {  	[smem:$0x3FB2] =	sst s6  }
0xf: {  	[smem:$0x3FB3] =	sst s7  }
0x10: {  	[smem:$0x3FB4] =	sst s8  }
0x11: {  	[smem:$0x3FB5] =	sst s9;
	s0 =	simm.s32 @!p0 $0x0  }
0x12: {  	s1 =	sld [smem:$0x3F9B];
	s0 =	simm.s32 @p0 $0x1  }
0x13: {  	[smem:$0x3FB6] =	sst s0;
	s0 =	simm.s32 @!p1 $0x0  }
0x14: {  	s2 =	sld [smem:$0x3F9A];
	s0 =	simm.s32 @p1 $0x1  }
0x15: {  	[smem:$0x3FB7] =	sst s0;
	s0 =	simm.s32 @!p2 $0x0  }
0x16: {  	s3 =	sld [smem:$0x3FDB];
	s0 =	simm.s32 @p2 $0x1  }
0x17: {  	s4 =	simm.s32 $0x1BF5;
	[smem:$0x3FB9] =	sst s0  }
0x18: {  	s0 =	sld [smem:$0x3F9C];
	_ =	swait.ge [sflag:s4], $0x0  }
0x19: {  	s7 =	sld [smem:$0x3F9D]  }
0x1a: {  	s8 =	sadd.s32 $0xFFFFE003, lr  }
0x1b: {  	s9 =	sadd.s32 $0xFFFFFEF7, lr;
	s5 =	simm.s32 $0xFFFFFFFF;
	p2 =	slt.u32 s8, $0xFFFFF086  }
0x1c: {  	p1 =	slt.u32 s9, $0xF7A;
	s5 =	simm.s32 @!p2 $0x0  }
0x1d: {  	s5 =	simm.s32 @p1 $0x1;
	p0 =	seq.s32 s7, s2  }
0x1e: {  	s7 =	smul.u32 @!p0 $0xF7A, s2;
	p2 =	seq.s32 @!p0 s5, $0x0  }
0x1f: {  	s9 =	smul.u32 $0xF7A, s1;
	s8 =	simm.s32 @!p0 $0x1BF5;
	p2 =	por !p2, p0  }
0x20: {  	[sflag:s8] =	ssyncset.s32 @!p0 $0xFFFFF086;
	s6 =	sadd.s32 @!p0 s3, s7;
	s7 =	simm.s32 @!p0 $0x108  }
0x21: {  	s3 =	sadd.s32 s3, s9;
	s6 =	sadd.s32 @!p0 $0x88, s6;
	s7 =	simm.s32 @p2 $0x1082  }
0x22: {  	[simem:s7], [sflag:s8] =	dma.local @!p0 [hbm:s6], $0xF7A  }
0x23: {  	s9 =	sor.u32 $0xD0000000, s2;
	s6 =	simm.s32 $0x108;
	_ =	swait.ge @!p0 [sflag:s8], $0x0  }
0x24: {  	s3 =	sadd.s32 $0x88, s3;
	s6 =	simm.s32 @!p1 $0x1082;
	[sflag:s4] =	ssyncset.s32 $0xFFFFF086  }
0x25: {  	[simem:s6], [sflag:s4] =	dma.local [hbm:s3], $0xF7A  }
0x26: {  	[smem:$0x3F9D] =	sst s1;
	(tag) =	ssettag s2;
	_ =	strace s9  }
0x27: {  	s1 =	sld [smem:$0x3FAD]  }
0x28: {  	s2 =	sld [smem:$0x3FAE]  }
0x29: {  	s4 =	sld [smem:$0x3FB0]  }
0x2a: {  	p0 =	seq.s32 s5, $0x0;
	s5 =	sld [smem:$0x3FB1]  }
0x2b: {  	s6 =	sld [smem:$0x3FB2]  }
0x2c: {  	s7 =	sld [smem:$0x3FB3]  }
0x2d: {  	s3 =	simm.s32 $0x108;
	s8 =	sld [smem:$0x3FB4]  }
0x2e: {  	s3 =	simm.s32 @!p0 $0x1082;
	s9 =	sld [smem:$0x3FB5]  }
0x2f: {  	lr =	sadd.s32 s0, s3;
	s0 =	sld [smem:$0x3FAC]  }
0x30: {  	s3 =	sld [smem:$0x3FAF]  }
0x31: {  	[smem:$0x3FB8] =	sst s10  }
0x32: {  	s10 =	sld [smem:$0x3FB6];
	_ =	sdelay $0x3  }
0x33: {  	p0 =	seq.s32 s10, $0x1;
	s10 =	sld [smem:$0x3FB8];
	_ =	sdelay $0x3  }
0x34: {  	[smem:$0x3FB8] =	sst s10  }
0x35: {  	s10 =	sld [smem:$0x3FB7];
	_ =	sdelay $0x3  }
0x36: {  	p1 =	seq.s32 s10, $0x1;
	s10 =	sld [smem:$0x3FB8];
	_ =	sdelay $0x3  }
0x37: {  	[smem:$0x3FB8] =	sst s10  }
0x38: {  	s10 =	sld [smem:$0x3FB9]  }
0x39: {  	_ = 	snop;
	(pc) =	sbr.ind lr, $3  }
0x3a: {  	_ = 	snop  }
0x3b: {  	_ = 	snop  }
0x3c: {  	p2 =	seq.s32 s10, $0x1;
	s10 =	sld [smem:$0x3FB8]  }
0x3d: {  	_ =	shalt  }
0x3e: {  	_ =	shalt  }
0x3f: {  	_ =	shalt  }
0x40: {  	_ =	shalt  }
0x41: {  	_ =	shalt  }
0x42: {  	_ =	shalt  }
0x43: {  	_ =	shalt  }
0x44: {  	_ =	shalt  }
0x45: {  	_ =	shalt  }
0x46: {  	_ =	shalt  }
0x47: {  	_ =	shalt  }
0x48: {  	_ =	shalt  }
0x49: {  	_ =	shalt  }
0x4a: {  	_ =	shalt  }
0x4b: {  	_ =	shalt  }
0x4c: {  	_ =	shalt  }
0x4d: {  	_ =	shalt  }
0x4e: {  	_ =	shalt  }
0x4f: {  	_ =	shalt  }
0x50: {  	_ =	shalt  }
0x51: {  	_ =	shalt  }
0x52: {  	_ =	shalt  }
0x53: {  	_ =	shalt  }
0x54: {  	_ =	shalt  }
0x55: {  	_ =	shalt  }
0x56: {  	_ =	shalt  }
0x57: {  	_ =	shalt  }
0x58: {  	_ =	shalt  }
0x59: {  	_ =	shalt  }
0x5a: {  	_ =	shalt  }
0x5b: {  	_ =	shalt  }
0x5c: {  	_ =	shalt  }
0x5d: {  	_ =	shalt  }
0x5e: {  	_ =	shalt  }
0x5f: {  	_ =	shalt  }
0x60: {  	_ =	shalt  }
0x61: {  	_ =	shalt  }
0x62: {  	_ =	shalt  }
0x63: {  	_ =	shalt  }
0x64: {  	_ =	shalt  }
0x65: {  	_ =	shalt  }
0x66: {  	_ =	shalt  }
0x67: {  	_ =	shalt  }
0x68: {  	_ =	shalt  }
0x69: {  	_ =	shalt  }
0x6a: {  	_ =	shalt  }
0x6b: {  	_ =	shalt  }
0x6c: {  	_ =	shalt  }
0x6d: {  	_ =	shalt  }
0x6e: {  	_ =	shalt  }
0x6f: {  	_ =	shalt  }
0x70: {  	_ =	shalt  }
0x71: {  	_ =	shalt  }
0x72: {  	_ =	shalt  }
0x73: {  	_ =	shalt  }
0x74: {  	_ =	shalt  }
0x75: {  	_ =	shalt  }
0x76: {  	_ =	shalt  }
0x77: {  	_ =	shalt  }
0x78: {  	_ =	shalt  }
0x79: {  	_ =	shalt  }
0x7a: {  	_ =	shalt  }
0x7b: {  	_ =	shalt  }
0x7c: {  	_ =	shalt  }
0x7d: {  	_ =	shalt  }
0x7e: {  	_ =	shalt  }
0x7f: {  	_ =	shalt  }
0x80: {  	_ =	shalt  }
0x81: {  	_ =	shalt  }
0x82: {  	_ =	shalt  }
0x83: {  	_ =	shalt  }
0x84: {  	_ =	shalt  }
0x85: {  	_ =	shalt  }
0x86: {  	_ =	shalt  }
0x87: {  	_ =	shalt  }
.Lfunc_end0:
.L_simem_size_0:
called_computation_lowered:
.L_overlay_start_0:
0x88: {  	s2 =	sld [smem:$0x3FD9]  }
0x89: {  	s3 =	sld [smem:$0x3FFE];
	_ =	sdelay $0x1  }
0x8a: {  	s1 =	srdreg.scid  }
0x8b: {  	s0 =	sand.u32 $0x1, s1  }
0x8c: {  	s17 =	sshll.u32 s0, $0xA;
	s2 =	sadd.s32 s3, s2  }
0x8d: {  	s2 =	sadd.s32 s2, s17  }
0x8e: {  	[smem:$0x3FC4] =	sst s2  }
0x8f: {  	_ = 	snop  }
0x90: {  	s2 =	sld [smem:$0x3FC9]  }
0x91: {  	s18 =	sld [smem:$0x3FC8]  }
0x92: {  	s4 =	sld [smem:$0x3FD0];
	(tm) =	ssettm $0x1  }
0x93: {  	s5 =	sld [smem:$0x3FFB];
	_ =	sdelay $0x3  }
0x94: {  	_ =	strace s5  }
0x95: {  	s5 =	sld [smem:$0x3FFC];
	_ =	sdelay $0x3  }
0x96: {  	_ =	strace s5  }
0x97: {  	s5 =	sld [smem:$0x3FFD];
	_ =	sdelay $0x3  }
0x98: {  	_ =	strace s5  }
0x99: {  	_ =	strace $0x8FFFFFFF  }
0x9a: {  	s19 =	sld [smem:$0x3FDB];
	_ =	sdelay $0x1  }
0x9b: {  	s6 =	simm.s32 $_scs_section_size  }
0x9c: {  	s7 =	simm.s32 $_size__tile_overlayer_lowered;
	s8 =	simm.s32 $_tile_overlayer_lowered  }
0x9d: {  	s22 =	simm.s32 $0x1BFF;
	s21 =	sshll.u32 s8, $0x1;
	s5 =	sadd.s32 s6, s19  }
0x9e: {  	s9 =	simm.s32 $0x0;
	s20 =	sshll.u32 s7, $0x1;
	s7 =	sadd.s32 s21, s5  }
0x9f: {  	[timem:s9], [sflag:s22] =	dma.local [hbm:s7], s20  }
0xa0: {  	_ =	swait.ge [sflag:s22], s20  }
0xa1: {  	s6 =	ssub.s32 $0x0, s20;
	[sflag:s22] =	ssyncset.done $0x0  }
0xa2: {  	[sflag:s22] =	ssyncadd.s32 s6;
	_ =	sdelay $0x1  }
0xa3: {  	s23 =	simm.s32 $0x1B8B  }
0xa4: {  	_ =	swait.ge [sflag:s23], $0x1  }
0xa5: {  	[sflag:s23] =	ssyncset.done $0x0  }
0xa6: {  	s25 =	simm.s32 $0x1B8E;
	s24 =	sld [smem:$0x3FFE];
	[sflag:s23] =	ssyncadd.s32 $0xFFFFFFFF  }
0xa7: {  	s26 =	simm.s32 $execute0_lowered;
	[smem:$0x3FD2] =	sst s25  }
0xa8: {  	s7 =	sshll.u32 s26, $0x1;
	_ =	strace $0x80000046;
	[dreg:$0x1] =	wrdreg $0xFFFFFFFF  }
0xa9: {  	s28 =	simm.s32 $_size_execute0_lowered;
	s5 =	sadd.s32 s5, s7;
	[dreg:$0x0] =	wrdreg $0x0  }
0xaa: {  	s7 =	sshll.u32 s28, $0x1;
	[dreg:$0x2] =	wrdreg s5  }
0xab: {  	[dreg:$0x3] =	wrdreg s7  }
0xac: {  	[dreg:$0x4] =	wrdreg $0xC0  }
0xad: {  	_ =	task [dreg:s9], $0x5FFFF  }
0xae: {  	[dreg:$0x1] =	wrdreg $0xFFFFFFFF  }
0xaf: {  	[dreg:$0x0] =	wrdreg $0x60  }
0xb0: {  	[dreg:$0x2] =	wrdreg s2  }
0xb1: {  	[dreg:$0x3] =	wrdreg s18  }
0xb2: {  	[dreg:$0x4] =	wrdreg s24  }
0xb3: {  	[dreg:$0x5] =	wrdreg s4  }
0xb4: {  	[dreg:$0x6] =	wrdreg $0x9  }
0xb5: {  	_ =	task.clear_ibuf [dreg:s9], $0x7FFFF;
	_ =	strace $0x90000046  }
0xb6: {  	s29 =	simm.s32 $0x9;
	_ =	strace $0x80000048  }
0xb7: {  	_ =	swait.ge [sflag:s29], $0x1  }
0xb8: {  	[sflag:s29] =	ssyncadd.s32 $0xFFFFFFFF  }
0xb9: {  	_ =	strace $0x90000048  }
0xba: {  	_ =	sfence  }
0xbb: {  	s30 =	sld [smem:$0x0];
	_ =	sdelay $0x2  }
0xbc: {  	s31 =	sshll.u32 s1, $0xD;
	s1 =	sshrl.u32 s1, $0x2  }
0xbd: {  	s3 =	sand.u32 $0x4000, s31;
	s1 =	sadd.s32 s1, s30  }
0xbe: {  	s0 =	sor.u32 s3, s0;
	s1 =	sshll.u32 s1, $0x11  }
0xbf: {  	s0 =	sor.u32 s1, s0  }
0xc0: {  	s0 =	sadd.s32 $0x8F2B, s0  }
0xc1: {  	[sflag:s0] =	ssyncadd.remote.s32 $0x1  }
0xc2: {  	_ =	sfence.sel $0xFFFF  }
0xc3: {  	[dreg:$0x0] =	wrdreg $0xFFFFFFFF;
	(pc) =	sbr.abs _section_cstart, $3  }
0xc4: {  	[dreg:$0x1] =	wrdreg $0xFFFFFFFF  }
0xc5: {  	_ =	task.clear_ibuf [dreg:s9], $0x2FFFF;
	_ =	strace $0x9FFFFFFF  }
0xc6: {  	(tm) =	ssettm $0x7FFFFFFF  }
0xc7: {  	_ =	shalt  }
tec
execute0_lowered:
.L_overlay_start_1:
0x0: {  	(tag) =	ssettag $0x1  }
0x1: {  	s5 =	rddreg [dreg:$0x0]  }
0x2: {  	s6 =	rddreg [dreg:$0x1]  }
0x3: {  	s4 =	rddreg [dreg:$0x2]  }
0x4: {  	s7 =	rddreg [dreg:$0x3]  }
0x5: {  	s0 =	rddreg [dreg:$0x4];
	s1 =	simm.s32 $0x0;
	s2 =	srdreg.scid  }
0x6: {  	s12 =	simm.s32 $0x2400;
	s13 =	simm.s32 $0x1;
	s14 =	simm.s32 $0x2  }
0x7: {  	s15 =	simm.s32 $0x4400;
	s16 =	simm.s32 $0x0;
	[smem:$0x7FF] =	sst s1  }
0x8: {  	s8 =	sand.u32 $0x1, s2;
	s3 =	sadd.s32 $0xF42800, s4;
	s2 =	stileid.u32  }
0x9: {  	s4 =	sadd.s32 $0x112AE00, s4;
	_ =	strace $0x80000047;
	s9 =	ssub.s32 $0x2, s8  }
0xa: {  	s11 =	sshll.u32 s2, $0x7;
	s8 =	sshll.u32 s8, $0x6;
	s10 =	sshrl.u32 s9, $0x1  }
0xb: {  	v0 =	vlaneseq.u32;
	s8 =	sor.u32 s8, s11;
	s11 =	simm.s32 $0x400;
	s9 =	ssub.s32 s9, s10  }
0xc: {  	v0 =	vmul.u32 $0x10, v0;
	s5 =	sadd.s32 s5, s8;
	s6 =	sadd.s32 s6, s8;
	s7 =	sadd.s32 s7, s8  }
0xd: {  	s10 =	simm.s32 $0x200;
	s8 =	smax.u32 s9, $0x1;
	s9 =	simm.s32 $0x3  }
.LBB2_1:
0xe: {  	[tilespmem:s1], [sflag:$0x3] =	stream.linear.gather [hbm4b:s5+s1], $0x200, $0x38;
	[tilespmem:$0x4600] =	vst v63  }
0xf: {  	_ =	swait.ge [sflag:s9], $0x200  }
0x10: {  	[sflag:s9] =	ssyncset.done $0x0  }
0x11: {  	[sflag:s9] =	ssyncadd.s32 $0xFFFFFE00  }
0x12: {  	[tilespmem:s10], [sflag:$0x3] =	stream.linear.gather [hbm4b:s6+s1], $0x200, $0x38;
	[tilespmem:$0x4600] =	vst v63  }
0x13: {  	_ =	swait.ge [sflag:s9], $0x200  }
0x14: {  	[sflag:s9] =	ssyncset.done $0x0  }
0x15: {  	[sflag:s9] =	ssyncadd.s32 $0xFFFFFE00  }
0x16: {  	[tilespmem:s11], [sflag:$0x1] =	stream.indirect.gather [hbm4b:s3+s10], $0x10, s1, s10, $0xb8;
	[tilespmem:$0x4600] =	vst v63  }
0x17: {  	_ = 	snop  }
0x18: {  	v1 =	vmov s1;
	[tilespmem:s12], [sflag:$0x2] =	stream.indirect.gather [hbm4b:s4+s10], $0x10, s10, s10, $0xb8;
	[tilespmem:$0x4600] =	vst v63  }
0x19: {  	v1 =	vshll.u32 v1, $0x4;
	_ =	swait.ge [sflag:s13], $0x2000  }
0x1a: {  	v1 =	vor.u32 v0, v1;
	[sflag:s13] =	ssyncset.done $0x0  }
0x1b: {  	[sflag:s13] =	ssyncadd.s32 $0xFFFFE000  }
0x1c: {  	v2 =	vor.u32 $0x1, v1;
	_ =	swait.ge [sflag:s14], $0x2000  }
0x1d: {  	[sflag:s14] =	ssyncset.done $0x0  }
0x1e: {  	v3 =	vor.u32 $0x2, v1;
	[sflag:s14] =	ssyncadd.s32 $0xFFFFE000  }
0x1f: {  	v4 =	vld.idx.msk [tilespmem:v1+s12+$0x0], $0xffff  }
0x20: {  	v6 =	vor.u32 $0x3, v1;
	v5 =	vld.idx.msk [tilespmem:v1+s11+$0x0], $0xffff  }
0x21: {  	v7 =	vld.idx.msk [tilespmem:v2+s11+$0x0], $0xffff  }
0x22: {  	v8 =	vor.u32 $0x4, v1;
	v2 =	vld.idx.msk [tilespmem:v2+s12+$0x0], $0xffff  }
0x23: {  	v9 =	vld.idx.msk [tilespmem:v3+s11+$0x0], $0xffff  }
0x24: {  	v10 =	vor.u32 $0x5, v1;
	v3 =	vld.idx.msk [tilespmem:v3+s12+$0x0], $0xffff  }
0x25: {  	v11 =	vld.idx.msk [tilespmem:v6+s11+$0x0], $0xffff;
	v4 =	vmul.f32 v4, v5  }
0x26: {  	v5 =	vld.idx.msk [tilespmem:v6+s12+$0x0], $0xffff;
	v6 =	vor.u32 $0x6, v1  }
0x27: {  	v12 =	vld.idx.msk [tilespmem:v8+s11+$0x0], $0xffff;
	v2 =	vmul.f32 v2, v7;
	v4 =	vadd.f32 $0.0e+00, v4  }
0x28: {  	v29 =	vor.u32 $0x7, v1;
	v7 =	vld.idx.msk [tilespmem:v8+s12+$0x0], $0xffff  }
0x29: {  	v13 =	vld.idx.msk [tilespmem:v10+s11+$0x0], $0xffff;
	v3 =	vmul.f32 v3, v9;
	v2 =	vadd.f32 v2, v4  }
0x2a: {  	v30 =	vor.u32 $0x8, v1;
	v4 =	vld.idx.msk [tilespmem:v10+s12+$0x0], $0xffff  }
0x2b: {  	v31 =	vld.idx.msk [tilespmem:v6+s11+$0x0], $0xffff;
	v2 =	vadd.f32 v3, v2;
	v3 =	vmul.f32 v5, v11  }
0x2c: {  	v5 =	vld.idx.msk [tilespmem:v6+s12+$0x0], $0xffff;
	v6 =	vor.u32 $0x9, v1  }
0x2d: {  	v32 =	vld.idx.msk [tilespmem:v29+s11+$0x0], $0xffff;
	v2 =	vadd.f32 v3, v2;
	v3 =	vmul.f32 v7, v12  }
0x2e: {  	v33 =	vor.u32 $0xA, v1;
	v7 =	vld.idx.msk [tilespmem:v29+s12+$0x0], $0xffff  }
0x2f: {  	v34 =	vld.idx.msk [tilespmem:v30+s11+$0x0], $0xffff;
	v2 =	vadd.f32 v3, v2;
	v3 =	vmul.f32 v4, v13  }
0x30: {  	v35 =	vor.u32 $0xB, v1;
	v4 =	vld.idx.msk [tilespmem:v30+s12+$0x0], $0xffff  }
0x31: {  	v36 =	vld.idx.msk [tilespmem:v6+s11+$0x0], $0xffff;
	v2 =	vadd.f32 v3, v2;
	v3 =	vmul.f32 v5, v31  }
0x32: {  	v5 =	vld.idx.msk [tilespmem:v6+s12+$0x0], $0xffff;
	v6 =	vor.u32 $0xC, v1  }
0x33: {  	v37 =	vld.idx.msk [tilespmem:v33+s11+$0x0], $0xffff;
	v2 =	vadd.f32 v3, v2;
	v3 =	vmul.f32 v7, v32  }
0x34: {  	v38 =	vor.u32 $0xD, v1;
	v7 =	vld.idx.msk [tilespmem:v33+s12+$0x0], $0xffff  }
0x35: {  	v39 =	vld.idx.msk [tilespmem:v35+s11+$0x0], $0xffff;
	v2 =	vadd.f32 v3, v2;
	v3 =	vmul.f32 v4, v34  }
0x36: {  	v40 =	vor.u32 $0xE, v1;
	v4 =	vld.idx.msk [tilespmem:v35+s12+$0x0], $0xffff  }
0x37: {  	v41 =	vld.idx.msk [tilespmem:v6+s11+$0x0], $0xffff;
	v2 =	vadd.f32 v3, v2;
	v3 =	vmul.f32 v5, v36  }
0x38: {  	v1 =	vor.u32 $0xF, v1;
	v5 =	vld.idx.msk [tilespmem:v6+s12+$0x0], $0xffff  }
0x39: {  	v6 =	vld.idx.msk [tilespmem:v38+s11+$0x0], $0xffff;
	v2 =	vadd.f32 v3, v2;
	v3 =	vmul.f32 v7, v37  }
0x3a: {  	v7 =	vld.idx.msk [tilespmem:v38+s12+$0x0], $0xffff  }
0x3b: {  	v42 =	vld.idx.msk [tilespmem:v40+s11+$0x0], $0xffff;
	v2 =	vadd.f32 v3, v2;
	v3 =	vmul.f32 v4, v39  }
0x3c: {  	v4 =	vld.idx.msk [tilespmem:v40+s12+$0x0], $0xffff  }
0x3d: {  	v43 =	vld.idx.msk [tilespmem:v1+s11+$0x0], $0xffff;
	v2 =	vadd.f32 v3, v2;
	v3 =	vmul.f32 v5, v41  }
0x3e: {  	v1 =	vld.idx.msk [tilespmem:v1+s12+$0x0], $0xffff  }
0x3f: {  	v2 =	vadd.f32 v3, v2;
	v3 =	vmul.f32 v7, v6  }
0x40: {  	s17 =	simm.s32 $0x10  }
0x41: {  	v5 =	vmov s17;
	v2 =	vadd.f32 v3, v2;
	v3 =	vmul.f32 v4, v42  }
0x42: {  	v4 =	vshll.u32 v5, $0x4  }
0x43: {  	v1 =	vmul.f32 v1, v43;
	v4 =	vor.u32 v0, v4;
	v2 =	vadd.f32 v3, v2;
	_ =	sdelay $0x1  }
0x44: {  	v3 =	vor.u32 $0x1, v4;
	v1 =	vadd.f32 v1, v2;
	_ =	sdelay $0x1  }
0x45: {  	v2 =	vor.u32 $0x2, v4;
	[tilespmem:s15+$0x0] =	vst v1  }
0x46: {  	v1 =	vld.idx.msk [tilespmem:v4+s12+$0x0], $0xffff  }
0x47: {  	v6 =	vor.u32 $0x3, v4;
	v5 =	vld.idx.msk [tilespmem:v4+s11+$0x0], $0xffff  }
0x48: {  	v7 =	vld.idx.msk [tilespmem:v3+s11+$0x0], $0xffff  }
0x49: {  	v44 =	vor.u32 $0x4, v4;
	v3 =	vld.idx.msk [tilespmem:v3+s12+$0x0], $0xffff  }
0x4a: {  	v45 =	vld.idx.msk [tilespmem:v2+s11+$0x0], $0xffff  }
0x4b: {  	v46 =	vor.u32 $0x5, v4;
	v2 =	vld.idx.msk [tilespmem:v2+s12+$0x0], $0xffff  }
0x4c: {  	v47 =	vld.idx.msk [tilespmem:v6+s11+$0x0], $0xffff;
	v1 =	vmul.f32 v1, v5  }
0x4d: {  	v5 =	vld.idx.msk [tilespmem:v6+s12+$0x0], $0xffff;
	v6 =	vor.u32 $0x6, v4  }
0x4e: {  	v48 =	vld.idx.msk [tilespmem:v44+s11+$0x0], $0xffff;
	v3 =	vmul.f32 v3, v7;
	v1 =	vadd.f32 $0.0e+00, v1  }
0x4f: {  	v49 =	vor.u32 $0x7, v4;
	v7 =	vld.idx.msk [tilespmem:v44+s12+$0x0], $0xffff  }
0x50: {  	v50 =	vld.idx.msk [tilespmem:v46+s11+$0x0], $0xffff;
	v2 =	vmul.f32 v2, v45;
	v1 =	vadd.f32 v3, v1  }
0x51: {  	v51 =	vor.u32 $0x8, v4;
	v3 =	vld.idx.msk [tilespmem:v46+s12+$0x0], $0xffff  }
0x52: {  	v52 =	vld.idx.msk [tilespmem:v6+s11+$0x0], $0xffff;
	v1 =	vadd.f32 v2, v1;
	v2 =	vmul.f32 v5, v47  }
0x53: {  	v5 =	vld.idx.msk [tilespmem:v6+s12+$0x0], $0xffff;
	v6 =	vor.u32 $0x9, v4  }
0x54: {  	v53 =	vld.idx.msk [tilespmem:v49+s11+$0x0], $0xffff;
	v1 =	vadd.f32 v2, v1;
	v2 =	vmul.f32 v7, v48  }
0x55: {  	v54 =	vor.u32 $0xA, v4;
	v7 =	vld.idx.msk [tilespmem:v49+s12+$0x0], $0xffff  }
0x56: {  	v55 =	vld.idx.msk [tilespmem:v51+s11+$0x0], $0xffff;
	v1 =	vadd.f32 v2, v1;
	v2 =	vmul.f32 v3, v50  }
0x57: {  	v56 =	vor.u32 $0xB, v4;
	v3 =	vld.idx.msk [tilespmem:v51+s12+$0x0], $0xffff  }
0x58: {  	v57 =	vld.idx.msk [tilespmem:v6+s11+$0x0], $0xffff;
	v1 =	vadd.f32 v2, v1;
	v2 =	vmul.f32 v5, v52  }
0x59: {  	v5 =	vld.idx.msk [tilespmem:v6+s12+$0x0], $0xffff;
	v6 =	vor.u32 $0xC, v4  }
0x5a: {  	v58 =	vld.idx.msk [tilespmem:v54+s11+$0x0], $0xffff;
	v1 =	vadd.f32 v2, v1;
	v2 =	vmul.f32 v7, v53  }
0x5b: {  	v7 =	vld.idx.msk [tilespmem:v54+s12+$0x0], $0xffff  }
0x5c: {  	v60 =	vld.idx.msk [tilespmem:v56+s11+$0x0], $0xffff;
	v1 =	vadd.f32 v2, v1;
	v2 =	vmul.f32 v3, v55  }
0x5d: {  	v59 =	vor.u32 $0xD, v4;
	v3 =	vld.idx.msk [tilespmem:v56+s12+$0x0], $0xffff  }
0x5e: {  	v62 =	vld.idx.msk [tilespmem:v6+s11+$0x0], $0xffff;
	v1 =	vadd.f32 v2, v1;
	v2 =	vmul.f32 v5, v57  }
0x5f: {  	v61 =	vor.u32 $0xE, v4;
	v5 =	vld.idx.msk [tilespmem:v6+s12+$0x0], $0xffff  }
0x60: {  	v1 =	vadd.f32 v2, v1;
	v2 =	vmul.f32 v7, v58  }
0x61: {  	v4 =	vor.u32 $0xF, v4  }
0x62: {  	v6 =	vld.idx.msk [tilespmem:v59+s11+$0x0], $0xffff;
	v1 =	vadd.f32 v2, v1;
	v2 =	vmul.f32 v3, v60  }
0x63: {  	v7 =	vld.idx.msk [tilespmem:v59+s12+$0x0], $0xffff  }
0x64: {  	v63 =	vld.idx.msk [tilespmem:v61+s11+$0x0], $0xffff;
	v1 =	vadd.f32 v2, v1;
	v2 =	vmul.f32 v5, v62  }
0x65: {  	v9 =	vld.idx.msk [tilespmem:v61+s12+$0x0], $0xffff  }
0x66: {  	v3 =	vadd.f32 v2, v1;
	v1 =	vld.idx.msk [tilespmem:v4+s11+$0x0], $0xffff  }
0x67: {  	v2 =	vld.idx.msk [tilespmem:v4+s12+$0x0], $0xffff  }
0x68: {  	v5 =	vmul.f32 v7, v6  }
0x69: {  	s31 =	simm.s32 $0x20  }
0x6a: {  	v6 =	vmov s31;
	v4 =	vmul.f32 v9, v63;
	v3 =	vadd.f32 v5, v3  }
0x6b: {  	s18 =	simm.s32 $0x30;
	s17 =	simm.s32 $0x4400;
	v5 =	vshll.u32 v6, $0x4  }
.LBB2_2:
0x6c: {  	p0 =	sne.s32 s18, $0x1F0;
	v5 =	vor.u32 v0, v5;
	v3 =	vadd.f32 v4, v3;
	v1 =	vmul.f32 v2, v1;
	_ =	sdelay $0x1  }
0x6d: {  	v2 =	vor.u32 $0x1, v5;
	v1 =	vadd.f32 v1, v3  }
0x6e: {  	s17 =	sadd.s32 $0x10, s17  }
0x6f: {  	v3 =	vor.u32 $0x2, v5;
	[tilespmem:s17+$0x0] =	vst v1  }
0x70: {  	v1 =	vld.idx.msk [tilespmem:v5+s12+$0x0], $0xffff  }
0x71: {  	v6 =	vor.u32 $0x3, v5;
	v4 =	vld.idx.msk [tilespmem:v5+s11+$0x0], $0xffff  }
0x72: {  	v7 =	vld.idx.msk [tilespmem:v2+s11+$0x0], $0xffff  }
0x73: {  	v8 =	vor.u32 $0x4, v5;
	v2 =	vld.idx.msk [tilespmem:v2+s12+$0x0], $0xffff  }
0x74: {  	v9 =	vld.idx.msk [tilespmem:v3+s11+$0x0], $0xffff  }
0x75: {  	v10 =	vor.u32 $0x5, v5;
	v3 =	vld.idx.msk [tilespmem:v3+s12+$0x0], $0xffff  }
0x76: {  	v11 =	vld.idx.msk [tilespmem:v6+s11+$0x0], $0xffff  }
0x77: {  	v1 =	vmul.f32 v1, v4;
	v4 =	vld.idx.msk [tilespmem:v6+s12+$0x0], $0xffff;
	v6 =	vor.u32 $0x6, v5  }
0x78: {  	v12 =	vld.idx.msk [tilespmem:v8+s11+$0x0], $0xffff  }
0x79: {  	v1 =	vadd.f32 $0.0e+00, v1;
	v2 =	vmul.f32 v2, v7;
	v7 =	vld.idx.msk [tilespmem:v8+s12+$0x0], $0xffff;
	v8 =	vor.u32 $0x7, v5  }
0x7a: {  	v13 =	vld.idx.msk [tilespmem:v10+s11+$0x0], $0xffff  }
0x7b: {  	v1 =	vadd.f32 v2, v1;
	v2 =	vmul.f32 v3, v9;
	v9 =	vor.u32 $0x8, v5;
	v3 =	vld.idx.msk [tilespmem:v10+s12+$0x0], $0xffff  }
0x7c: {  	v10 =	vld.idx.msk [tilespmem:v6+s11+$0x0], $0xffff  }
0x7d: {  	v1 =	vadd.f32 v2, v1;
	v2 =	vmul.f32 v4, v11;
	v4 =	vld.idx.msk [tilespmem:v6+s12+$0x0], $0xffff;
	v6 =	vor.u32 $0x9, v5  }
0x7e: {  	v11 =	vld.idx.msk [tilespmem:v8+s11+$0x0], $0xffff  }
0x7f: {  	v1 =	vadd.f32 v2, v1;
	v2 =	vmul.f32 v7, v12;
	v7 =	vld.idx.msk [tilespmem:v8+s12+$0x0], $0xffff;
	v8 =	vor.u32 $0xA, v5  }
0x80: {  	v12 =	vld.idx.msk [tilespmem:v9+s11+$0x0], $0xffff  }
0x81: {  	v1 =	vadd.f32 v2, v1;
	v2 =	vmul.f32 v3, v13;
	v3 =	vld.idx.msk [tilespmem:v9+s12+$0x0], $0xffff;
	v9 =	vor.u32 $0xB, v5  }
0x82: {  	v13 =	vld.idx.msk [tilespmem:v6+s11+$0x0], $0xffff  }
0x83: {  	v1 =	vadd.f32 v2, v1;
	v2 =	vmul.f32 v4, v10;
	v4 =	vld.idx.msk [tilespmem:v6+s12+$0x0], $0xffff;
	v6 =	vor.u32 $0xC, v5  }
0x84: {  	v10 =	vld.idx.msk [tilespmem:v8+s11+$0x0], $0xffff  }
0x85: {  	v1 =	vadd.f32 v2, v1;
	v2 =	vmul.f32 v7, v11;
	v7 =	vld.idx.msk [tilespmem:v8+s12+$0x0], $0xffff;
	v8 =	vor.u32 $0xD, v5  }
0x86: {  	v11 =	vld.idx.msk [tilespmem:v9+s11+$0x0], $0xffff  }
0x87: {  	v1 =	vadd.f32 v2, v1;
	v2 =	vmul.f32 v3, v12;
	v3 =	vld.idx.msk [tilespmem:v9+s12+$0x0], $0xffff;
	v9 =	vor.u32 $0xE, v5  }
0x88: {  	v12 =	vld.idx.msk [tilespmem:v6+s11+$0x0], $0xffff  }
0x89: {  	v5 =	vor.u32 $0xF, v5;
	v1 =	vadd.f32 v2, v1;
	v2 =	vmul.f32 v4, v13;
	v4 =	vld.idx.msk [tilespmem:v6+s12+$0x0], $0xffff  }
0x8a: {  	v6 =	vld.idx.msk [tilespmem:v8+s11+$0x0], $0xffff  }
0x8b: {  	v1 =	vadd.f32 v2, v1;
	v2 =	vmul.f32 v7, v10;
	v7 =	vld.idx.msk [tilespmem:v8+s12+$0x0], $0xffff  }
0x8c: {  	v8 =	vld.idx.msk [tilespmem:v9+s11+$0x0], $0xffff  }
0x8d: {  	v2 =	vadd.f32 v2, v1;
	v3 =	vmul.f32 v3, v11;
	v9 =	vld.idx.msk [tilespmem:v9+s12+$0x0], $0xffff  }
0x8e: {  	v1 =	vld.idx.msk [tilespmem:v5+s11+$0x0], $0xffff  }
0x8f: {  	v3 =	vadd.f32 v3, v2;
	v4 =	vmul.f32 v4, v12;
	v2 =	vld.idx.msk [tilespmem:v5+s12+$0x0], $0xffff  }
.Ltmp0:
0x90: {  	(pc) =	sbr.rel @p0 .LBB2_2-.Ltmp0, $3  }
0x91: {  	v3 =	vadd.f32 v4, v3;
	v4 =	vmul.f32 v7, v6;
	_ =	sdelay $0x1  }
0x92: {  	v5 =	vmov s18;
	v3 =	vadd.f32 v4, v3;
	v4 =	vmul.f32 v9, v8  }
0x93: {  	s18 =	sadd.s32 $0x10, s18;
	v5 =	vshll.u32 v5, $0x4  }
0x94: {  	v5 =	vor.u32 v0, v5;
	v3 =	vadd.f32 v4, v3;
	v1 =	vmul.f32 v2, v1;
	_ =	sdelay $0x1  }
0x95: {  	v2 =	vor.u32 $0x1, v5;
	v1 =	vadd.f32 v1, v3  }
0x96: {  	s17 =	sadd.s32 $0x10, s17  }
0x97: {  	v3 =	vor.u32 $0x2, v5;
	[tilespmem:s17+$0x0] =	vst v1  }
0x98: {  	v1 =	vld.idx.msk [tilespmem:v5+s12+$0x0], $0xffff  }
0x99: {  	v6 =	vor.u32 $0x3, v5;
	v35 =	vld.idx.msk [tilespmem:v5+s11+$0x0], $0xffff  }
0x9a: {  	v7 =	vld.idx.msk [tilespmem:v2+s11+$0x0], $0xffff  }
0x9b: {  	v8 =	vor.u32 $0x4, v5;
	v2 =	vld.idx.msk [tilespmem:v2+s12+$0x0], $0xffff  }
0x9c: {  	v9 =	vld.idx.msk [tilespmem:v3+s11+$0x0], $0xffff  }
0x9d: {  	v10 =	vor.u32 $0x5, v5;
	v3 =	vld.idx.msk [tilespmem:v3+s12+$0x0], $0xffff  }
0x9e: {  	v11 =	vld.idx.msk [tilespmem:v6+s11+$0x0], $0xffff;
	v1 =	vmul.f32 v1, v35  }
0x9f: {  	v37 =	vor.u32 $0x6, v5;
	v36 =	vld.idx.msk [tilespmem:v6+s12+$0x0], $0xffff  }
0xa0: {  	v12 =	vld.idx.msk [tilespmem:v8+s11+$0x0], $0xffff;
	v2 =	vmul.f32 v2, v7;
	v1 =	vadd.f32 $0.0e+00, v1  }
0xa1: {  	v39 =	vor.u32 $0x7, v5;
	v38 =	vld.idx.msk [tilespmem:v8+s12+$0x0], $0xffff  }
0xa2: {  	v13 =	vld.idx.msk [tilespmem:v10+s11+$0x0], $0xffff;
	v1 =	vadd.f32 v2, v1;
	v2 =	vmul.f32 v3, v9  }
0xa3: {  	v40 =	vor.u32 $0x8, v5;
	v3 =	vld.idx.msk [tilespmem:v10+s12+$0x0], $0xffff  }
0xa4: {  	v41 =	vld.idx.msk [tilespmem:v37+s11+$0x0], $0xffff;
	v1 =	vadd.f32 v2, v1;
	v2 =	vmul.f32 v36, v11  }
0xa5: {  	v43 =	vor.u32 $0x9, v5;
	v42 =	vld.idx.msk [tilespmem:v37+s12+$0x0], $0xffff  }
0xa6: {  	v44 =	vld.idx.msk [tilespmem:v39+s11+$0x0], $0xffff;
	v1 =	vadd.f32 v2, v1;
	v2 =	vmul.f32 v38, v12  }
0xa7: {  	v46 =	vor.u32 $0xA, v5;
	v45 =	vld.idx.msk [tilespmem:v39+s12+$0x0], $0xffff  }
0xa8: {  	v47 =	vld.idx.msk [tilespmem:v40+s11+$0x0], $0xffff;
	v1 =	vadd.f32 v2, v1;
	v2 =	vmul.f32 v3, v13  }
0xa9: {  	v48 =	vor.u32 $0xB, v5;
	v3 =	vld.idx.msk [tilespmem:v40+s12+$0x0], $0xffff  }
0xaa: {  	v49 =	vld.idx.msk [tilespmem:v43+s11+$0x0], $0xffff;
	v1 =	vadd.f32 v2, v1;
	v2 =	vmul.f32 v42, v41  }
0xab: {  	v51 =	vor.u32 $0xC, v5;
	v50 =	vld.idx.msk [tilespmem:v43+s12+$0x0], $0xffff  }
0xac: {  	v52 =	vld.idx.msk [tilespmem:v46+s11+$0x0], $0xffff;
	v1 =	vadd.f32 v2, v1;
	v2 =	vmul.f32 v45, v44  }
0xad: {  	v54 =	vor.u32 $0xD, v5;
	v53 =	vld.idx.msk [tilespmem:v46+s12+$0x0], $0xffff  }
0xae: {  	v55 =	vld.idx.msk [tilespmem:v48+s11+$0x0], $0xffff;
	v1 =	vadd.f32 v2, v1;
	v2 =	vmul.f32 v3, v47  }
0xaf: {  	v56 =	vor.u32 $0xE, v5;
	v3 =	vld.idx.msk [tilespmem:v48+s12+$0x0], $0xffff  }
0xb0: {  	v57 =	vld.idx.msk [tilespmem:v51+s11+$0x0], $0xffff;
	v1 =	vadd.f32 v2, v1;
	v2 =	vmul.f32 v50, v49  }
0xb1: {  	v5 =	vor.u32 $0xF, v5;
	v58 =	vld.idx.msk [tilespmem:v51+s12+$0x0], $0xffff  }
0xb2: {  	v59 =	vld.idx.msk [tilespmem:v54+s11+$0x0], $0xffff;
	v1 =	vadd.f32 v2, v1;
	v2 =	vmul.f32 v53, v52  }
0xb3: {  	v60 =	vld.idx.msk [tilespmem:v54+s12+$0x0], $0xffff  }
0xb4: {  	v61 =	vld.idx.msk [tilespmem:v56+s11+$0x0], $0xffff;
	v1 =	vadd.f32 v2, v1;
	v2 =	vmul.f32 v3, v55  }
0xb5: {  	v3 =	vld.idx.msk [tilespmem:v56+s12+$0x0], $0xffff  }
0xb6: {  	v62 =	vld.idx.msk [tilespmem:v5+s11+$0x0], $0xffff;
	v1 =	vadd.f32 v2, v1;
	v2 =	vmul.f32 v58, v57  }
0xb7: {  	v63 =	vld.idx.msk [tilespmem:v5+s12+$0x0], $0xffff  }
0xb8: {  	v1 =	vadd.f32 v2, v1;
	v2 =	vmul.f32 v60, v59;
	_ =	sdelay $0x1  }
0xb9: {  	v1 =	vadd.f32 v2, v1;
	v2 =	vmul.f32 v3, v61;
	_ =	sdelay $0x1  }
0xba: {  	v1 =	vadd.f32 v2, v1;
	v2 =	vmul.f32 v63, v62;
	_ =	sdelay $0x1  }
0xbb: {  	s16 =	sadd.s32 $0x1, s16;
	v1 =	vadd.f32 v2, v1  }
0xbc: {  	p0 =	sne.s32 s16, s8;
	s17 =	sadd.s32 $0x10, s17  }
.Ltmp1:
0xbd: {  	[tilespmem:s17+$0x0] =	vst v1;
	(pc) =	sbr.rel @p0 .LBB2_1-.Ltmp1, $4  }
0xbe: {  	[hbm4b:s7+s1] =	stream.linear.scatter [tilespmem:s15], [sflag:$0x3], $0x200, $0x38;
	[tilespmem:$0x4600] =	vst v63  }
0xbf: {  	_ =	swait.ge [sflag:s9], $0x200  }
0xc0: {  	[sflag:s9] =	ssyncset.done $0x0  }
0xc1: {  	[sflag:s9] =	ssyncadd.s32 $0xFFFFFE00  }
0xc2: {  	_ =	sfence.sel $0x180000  }
0xc3: {  	[bflag:$0x0] =	sbarrier.arrive $0xFFFF  }
0xc4: {  	p0 =	sne.s32 s2, $0x0;
	_ =	strace $0x90000047  }
0xc5: {  	s0 =	sadd.s32 @!p0 $0x100000, s0;
	[bflag:$0x2] =	sbarrier.arrive $0xFFFF  }
0xc6: {  	[sflag:s0] =	ssyncadd.tile.s32 @!p0 $0x1;
	_ =	shalt  }
.Lfunc_end2:
_tile_overlayer_lowered:
.L_overlay_start_2:
0xc7: {  	(tag) =	ssettag $0x2  }
0xc8: {  	s0 =	rddreg [dreg:$0x0];
	s2 =	stileid.u32  }
0xc9: {  	s1 =	rddreg [dreg:$0x1];
	p0 =	sne.s32 s2, $0x0  }
0xca: {  	s3 =	rddreg [dreg:$0x2];
	[bflag:$0x3] =	sbarrier.arrive $0xFFFF;
	s2 =	simm.s32 @!p0 $0x1C03  }
0xcb: {  	[timem:s3], [sflag:s2] =	dma.local @!p0 [hbm:s0], s1  }
0xcc: {  	s0 =	simm.s32 @!p0 $0x3  }
0xcd: {  	_ =	swait.ge @!p0 [sflag:s0], s1  }
0xce: {  	s1 =	ssub.s32 @!p0 $0x0, s1;
	[sflag:s0] =	ssyncset.done @!p0 $0x0  }
0xcf: {  	[sflag:s0] =	ssyncadd.s32 @!p0 s1  }
0xd0: {  	[bflag:$0x3] =	sbarrier.arrive $0xFFFF  }
0xd1: {  	_ =	shalt  }

</sc_bundles>
